<compile_context>
chip_gen: v7x
topology: tpu7x:2x2x1
jax: 0.10.2.dev20260603
libtpu: 0.0.44.dev20260713+nightly
codegen_flags: <defaults>
</compile_context>

<pallas_src>
import functools

import jax
import jax.numpy as jnp
from jax import lax
from jax.experimental import pallas as pl
from jax.experimental.pallas import tpu as pltpu
from jax.experimental.pallas import tpu_sc as plsc

N = 10000
H = 256
G = 64
NC = 2
NS = 16
K = 32
CB = 40

ACC_ROWS = 10112


@functools.partial(jax.jit, static_argnames=("dh", "n_chunks"))
def _sc_segsum(h, src_cns, dst_cns, zeros_acc, *, dh, n_chunks):
    mesh = plsc.VectorSubcoreMesh(core_axis_name="c", subcore_axis_name="s")
    zrows = ACC_ROWS // NS

    @functools.partial(
        pl.kernel,
        out_type=jax.ShapeDtypeStruct((NC, ACC_ROWS, dh), jnp.float32),
        mesh=mesh,
        scratch_types=[
            pltpu.VMEM_SHARED((ACC_ROWS, dh), jnp.float32),
            pltpu.VMEM((CB, K), jnp.int32),
            pltpu.VMEM((CB, K), jnp.int32),
            pltpu.VMEM((K, dh), jnp.float32),
            pltpu.VMEM((K, dh), jnp.float32),
        ] + [pltpu.SemaphoreType.DMA] * 4,
    )
    def body(h_hbm, src_hbm, dst_hbm, z_hbm, out_hbm,
             acc, src_idx, dst_idx, r0, r1, sg0, sg1, ss0, ss1):
        rows = (r0, r1)
        sg = (sg0, sg1)
        ss = (ss0, ss1)
        c = lax.axis_index("c")
        s = lax.axis_index("s")

        pltpu.sync_copy(z_hbm.at[pl.ds(s * zrows, zrows)],
                        acc.at[pl.ds(s * zrows, zrows)])
        plsc.subcore_barrier()

        def load_idx(bi):
            pltpu.sync_copy(src_hbm.at[c, s, pl.ds(bi * CB, CB)], src_idx)
            pltpu.sync_copy(dst_hbm.at[c, s, pl.ds(bi * CB, CB)], dst_idx)

        def g(j, t):
            pltpu.async_copy(h_hbm.at[src_idx.at[j]], rows[t], sg[t])

        def wg(j, t):
            pltpu.make_async_copy(
                h_hbm.at[src_idx.at[j]], rows[t], sg[t]).wait()

        def sc(j, t):
            pltpu.async_copy(rows[t], acc.at[dst_idx.at[j]], ss[t], add=True)

        def ws(t):
            pltpu.make_async_copy(
                rows[t], acc.at[dst_idx.at[0]], ss[t]).wait()

        def blk(bi, _):
            load_idx(bi)
            g(0, 0)

            def pair(jj, _):
                j0 = 2 * jj
                j1 = j0 + 1

                @pl.when(jj > 0)
                def _():
                    ws(1)

                g(j1, 1)
                wg(j0, 0)
                sc(j0, 0)

                @pl.when(j1 + 1 < CB)
                def _():
                    ws(0)
                    g(j1 + 1, 0)

                wg(j1, 1)
                sc(j1, 1)
                return 0

            lax.fori_loop(0, CB // 2, pair, 0)
            ws(0)
            ws(1)
            return 0

        lax.fori_loop(0, n_chunks // CB, blk, 0)

        plsc.subcore_barrier()
        pltpu.sync_copy(acc.at[pl.ds(s * zrows, zrows)],
                        out_hbm.at[c, pl.ds(s * zrows, zrows)])

    return body(h, src_cns, dst_cns, zeros_acc)


def _tc_layer(h_in, agg, p, mode):
    def body(h_ref, agg_ref, w1, b1, w2, b2, gamma, beta, out_ref):
        a = agg_ref[...]
        if mode == "edge":
            m = h_ref[...] + a[0, :N] + a[1, :N]
        else:
            m = jnp.concatenate([h_ref[:N] + a[0, :N],
                                 h_ref[N:] + a[1, :N]], axis=1)
        z = jnp.maximum(
            jax.lax.dot_general(m, w1[...], (((1,), (0,)), ((), ())),
                                preferred_element_type=jnp.float32)
            + b1[...], 0.0)
        m2 = jax.lax.dot_general(z, w2[...], (((1,), (0,)), ((), ())),
                                 preferred_element_type=jnp.float32) + b2[...]

        def colmean(v):
            vr = v.reshape(50, 200, H)
            return jnp.sum(jnp.sum(vr, axis=1), axis=0, keepdims=True) / N

        mu = colmean(m2)
        var = colmean((m2 - mu) * (m2 - mu))
        o = jnp.maximum(
            (m2 - mu) * lax.rsqrt(var + 1e-5) * gamma[...] + beta[...], 0.0)
        out_ref[pl.ds(0, N), :] = o[:, : H // 2]
        out_ref[pl.ds(N, N), :] = o[:, H // 2 :]

    return pl.pallas_call(
        body,
        out_shape=jax.ShapeDtypeStruct((2 * N, H // 2), jnp.float32),
    )(h_in, agg, p["W1"], p["b1"][None, :], p["W2"], p["b2"][None, :],
      p["gamma"][None, :], p["beta"][None, :])


def _tc_final_body(hs_ref, bm_ref, gf_ref, wm, wx, wg, bh1, wh2, bh2,
                   out_ref, maxacc):
    h = jnp.concatenate([hs_ref[:N], hs_ref[N:]], axis=1)
    bm = bm_ref[...]
    ids = lax.broadcasted_iota(jnp.int32, (1, G), 1)
    maskf = (bm == ids).astype(jnp.float32)
    counts = jnp.sum(maskf, axis=0, keepdims=True)
    sums = jax.lax.dot_general(maskf, h, (((0,), (0,)), ((), ())),
                               preferred_element_type=jnp.float32)
    mean_pool = sums / jnp.maximum(counts, 1.0).reshape(G, 1)

    def gbody(g, _):
        sel = jnp.where(bm == g, h, -jnp.inf)
        maxacc[pl.ds(g, 1), :] = jnp.max(sel, axis=0, keepdims=True)
        return 0

    lax.fori_loop(0, G, gbody, 0, unroll=False)
    mx = maxacc[...]
    max_pool = jnp.where(jnp.isfinite(mx), mx, 0.0)

    gf = gf_ref[...]
    hid = (jax.lax.dot_general(mean_pool, wm[...], (((1,), (0,)), ((), ())),
                               preferred_element_type=jnp.float32)
           + jax.lax.dot_general(max_pool, wx[...], (((1,), (0,)), ((), ())),
                                 preferred_element_type=jnp.float32)
           + gf[:, 0:1] * wg[0:1, :]
           + gf[:, 1:2] * wg[1:2, :]
           + gf[:, 2:3] * wg[2:3, :]
           + bh1[...])
    hid = jnp.maximum(hid, 0.0)
    out_ref[...] = jax.lax.dot_general(
        hid, wh2[...], (((1,), (0,)), ((), ())),
        preferred_element_type=jnp.float32) + bh2[...]


def _tc_final(hs, batch, gf, params):
    wh1 = params["Wh1"]
    out = pl.pallas_call(
        _tc_final_body,
        out_shape=jax.ShapeDtypeStruct((G, 1), jnp.float32),
        scratch_shapes=[pltpu.VMEM((G, H), jnp.float32)],
    )(hs, batch[:, None], gf, wh1[:H], wh1[H : 2 * H], wh1[2 * H :],
      params["bh1"][None, :], params["Wh2"], params["bh2"][None, :])
    return out[:, 0]


def kernel(x, edge_index, batch, global_feats, params):
    e = edge_index.shape[1]
    src, dst = edge_index[0], edge_index[1]
    cdiv = lambda a, b: -(-a // b)

    nc_a = cdiv(cdiv(cdiv(e, NC * NS), K), CB) * CB
    e_pad_a = NC * NS * nc_a * K
    src_a = jnp.concatenate(
        [src, jnp.zeros((e_pad_a - e,), jnp.int32)]).reshape(NC, NS, nc_a, K)
    dst_a = jnp.concatenate(
        [dst, jnp.full((e_pad_a - e,), N, jnp.int32)]).reshape(NC, NS, nc_a, K)

    nc_b = cdiv(cdiv(cdiv(e, NS), K), CB) * CB
    e_pad_b = NS * nc_b * K
    src_b1 = jnp.concatenate(
        [src, jnp.zeros((e_pad_b - e,), jnp.int32)]).reshape(NS, nc_b, K)
    dst_b1 = jnp.concatenate(
        [dst, jnp.full((e_pad_b - e,), N, jnp.int32)]).reshape(NS, nc_b, K)
    src_b = jnp.stack([src_b1, src_b1 + N])
    dst_b = jnp.stack([dst_b1, dst_b1])

    dh = H // 2
    z_a = jnp.zeros((ACC_ROWS, x.shape[1]), jnp.float32)
    z_b = jnp.zeros((ACC_ROWS, dh), jnp.float32)

    layers = params["layers"]
    agg = _sc_segsum(x, src_a, dst_a, z_a, dh=x.shape[1], n_chunks=nc_a)
    hs = _tc_layer(x, agg, layers[0], mode="edge")
    for p in layers[1:]:
        agg = _sc_segsum(hs, src_b, dst_b, z_b, dh=dh, n_chunks=nc_b)
        hs = _tc_layer(hs, agg, p, mode="split")

    return _tc_final(hs, batch, global_feats, params)

# --- scband reference (transcript-rebuilt; emitter-appended) ---
"""Pipeline reference for scband-simple-gnn-15582141350481 (READ-ONLY COPY).

The authoritative reference and input builder live on the scoring server;
editing this copy changes nothing except your own understanding.
"""

import jax, jax.numpy as jnp
import numpy as np

N = 10000
E = 320000
D_IN = 128
H = 256
G = 64
N_LAYERS = 3


def setup_inputs(seed: int = 0) -> dict:
    key = jax.random.key(seed)
    ks = jax.random.split(key, 8 + 6 * N_LAYERS)
    x = jax.random.normal(ks[0], (N, D_IN), dtype=jnp.float32)
    edge_index = jax.random.randint(ks[1], (2, E), 0, N, dtype=jnp.int32)
    batch = jnp.sort(jax.random.randint(ks[2], (N,), 0, G, dtype=jnp.int32))
    global_feats = jax.random.normal(ks[3], (G, 3), dtype=jnp.float32)
    layers = []
    for i in range(N_LAYERS):
        din = D_IN if i == 0 else H
        k1 = ks[8 + 6 * i]
        k2 = ks[8 + 6 * i + 1]
        layers.append({
            'W1': jax.random.normal(k1, (din, H), dtype=jnp.float32) * (1.0 / np.sqrt(din)),
            'b1': jnp.zeros((H,), dtype=jnp.float32),
            'W2': jax.random.normal(k2, (H, H), dtype=jnp.float32) * (1.0 / np.sqrt(H)),
            'b2': jnp.zeros((H,), dtype=jnp.float32),
            'gamma': jnp.ones((H,), dtype=jnp.float32),
            'beta': jnp.zeros((H,), dtype=jnp.float32),
        })
    params = {
        'layers': layers,
        'Wh1': jax.random.normal(ks[4], (2 * H + 3, H), dtype=jnp.float32) * (1.0 / np.sqrt(2 * H + 3)),
        'bh1': jnp.zeros((H,), dtype=jnp.float32),
        'Wh2': jax.random.normal(ks[5], (H, 1), dtype=jnp.float32) * (1.0 / np.sqrt(H)),
        'bh2': jnp.zeros((1,), dtype=jnp.float32),
    }
    return {'x': x, 'edge_index': edge_index, 'batch': batch, 'global_feats': global_feats, 'params': params}


def _gin_forward(x, global_feats, params, edge_index, batch):
    # GINConv with eps=0 (default, train_eps=False): h_i' = MLP((1+eps)*h_i + sum_{j->i} h_j)
    src = edge_index[0]
    dst = edge_index[1]
    h = x
    for p in params['layers']:
        agg = jax.ops.segment_sum(h[src], dst, num_segments=N)
        m = h + agg
        m = jnp.maximum(m @ p['W1'] + p['b1'], 0.0) @ p['W2'] + p['b2']
        # BatchNorm1d in training mode: batch statistics (biased variance)
        mu = jnp.mean(m, axis=0)
        var = jnp.var(m, axis=0)
        m = (m - mu) * jax.lax.rsqrt(var + 1e-5) * p['gamma'] + p['beta']
        h = jnp.maximum(m, 0.0)
        # dropout omitted (deterministic reference)
    ones = jnp.ones((N,), dtype=h.dtype)
    counts = jax.ops.segment_sum(ones, batch, num_segments=G)
    mean_pool = jax.ops.segment_sum(h, batch, num_segments=G) / jnp.maximum(counts, 1.0)[:, None]
    max_pool = jax.ops.segment_max(h, batch, num_segments=G)
    max_pool = jnp.where(jnp.isfinite(max_pool), max_pool, 0.0)
    xa = jnp.concatenate([mean_pool, max_pool, global_feats], axis=1)
    out = jnp.maximum(xa @ params['Wh1'] + params['bh1'], 0.0) @ params['Wh2'] + params['bh2']
    return out.squeeze(-1)


def reference(x, edge_index, batch, global_feats, params):
    return _gin_forward(x, global_feats, params, edge_index, batch)

if __name__ == "__main__":
    import jax
    _d = setup_inputs()
    print(jax.jit(kernel)(*tuple(_d.values())))

</pallas_src>

<mosaic_0001>
#map = affine_map<(d0, d1) -> (0, 0)>
#map1 = affine_map<(d0, d1) -> (0, 0, 0, 0)>
#map2 = affine_map<(d0, d1) -> (0, 0, 0)>
module attributes {stable_mosaic.version = 14 : i64} {
  func.func @body(%arg0: i32, %arg1: i32, %arg2: memref<10000x128xf32, #tpu.memory_space<hbm>>, %arg3: memref<2x16x320x32xi32, #tpu.memory_space<hbm>>, %arg4: memref<2x16x320x32xi32, #tpu.memory_space<hbm>>, %arg5: memref<10112x128xf32, #tpu.memory_space<hbm>>, %arg6: memref<2x10112x128xf32, #tpu.memory_space<hbm>>, %arg7: memref<10112x128xf32, #tpu.memory_space<vmem_shared>>, %arg8: memref<40x32xi32, #tpu.memory_space<vmem>>, %arg9: memref<40x32xi32, #tpu.memory_space<vmem>>, %arg10: memref<32x128xf32, #tpu.memory_space<vmem>>, %arg11: memref<32x128xf32, #tpu.memory_space<vmem>>, %arg12: memref<!tpu.dma_semaphore, #tpu.memory_space<semaphore_mem>>, %arg13: memref<!tpu.dma_semaphore, #tpu.memory_space<semaphore_mem>>, %arg14: memref<!tpu.dma_semaphore, #tpu.memory_space<semaphore_mem>>, %arg15: memref<!tpu.dma_semaphore, #tpu.memory_space<semaphore_mem>>) attributes {dimension_semantics = [#tpu.dimension_semantics<core_parallel>, #tpu.dimension_semantics<subcore_parallel>], iteration_bounds = array<i64: 2, 16>, scalar_prefetch = 0 : i64, scratch_operands = 9 : i64, tpu.core_type = #tpu.core_type<sc_vector_subcore>, window_params = [{transform_indices = #map}, {transform_indices = #map1}, {transform_indices = #map1}, {transform_indices = #map}, {transform_indices = #map2}]} {
    %mul3A = arith.constant 632 : i32
    %mul3A_0 = arith.muli %arg1, %mul3A : i32
    %mul3A_1 = arith.constant 632 : i32
    %mul3A_2 = arith.muli %arg1, %mul3A_1 : i32
    "tpu.region"() ({
      %run_scoped3A = tpu.sem_alloc : memref<!tpu.dma_semaphore, #tpu.memory_space<semaphore_mem>>
      %dma_start3A = arith.constant 0 : i32
      %dma_start3A_14 = tpu.memref_slice %arg7[%mul3A_2, %dma_start3A] : memref<10112x128xf32, #tpu.memory_space<vmem_shared>> -> memref<632x128xf32, #tpu.memory_space<vmem_shared>>
      %dma_start3A_15 = arith.constant 0 : i32
      %dma_start3A_16 = tpu.memref_slice %arg5[%mul3A_0, %dma_start3A_15] : memref<10112x128xf32, #tpu.memory_space<hbm>> -> memref<632x128xf32, #tpu.memory_space<hbm>>
      tpu.enqueue_dma source(%dma_start3A_16 : memref<632x128xf32, #tpu.memory_space<hbm>>) target(%dma_start3A_14 : memref<632x128xf32, #tpu.memory_space<vmem_shared>>) target_semaphore(%run_scoped3A : memref<!tpu.dma_semaphore, #tpu.memory_space<semaphore_mem>>)
      %dma_wait3A = arith.constant 0 : i32
      %dma_wait3A_17 = tpu.memref_slice %arg7[%mul3A_2, %dma_wait3A] : memref<10112x128xf32, #tpu.memory_space<vmem_shared>> -> memref<632x128xf32, #tpu.memory_space<vmem_shared>>
      %dma_wait3A_18 = arith.constant 0 : i32
      %dma_wait3A_19 = tpu.memref_slice %arg5[%mul3A_0, %dma_wait3A_18] : memref<10112x128xf32, #tpu.memory_space<hbm>> -> memref<632x128xf32, #tpu.memory_space<hbm>>
      tpu.wait_dma2 semaphore(%run_scoped3A : memref<!tpu.dma_semaphore, #tpu.memory_space<semaphore_mem>>) src(%dma_wait3A_19 : memref<632x128xf32, #tpu.memory_space<hbm>>) dst(%dma_wait3A_17 : memref<632x128xf32, #tpu.memory_space<vmem_shared>>)
      tpu.yield
    }) : () -> ()
    %barrier3A = arith.constant 0 : index
    tpu.barrier barrier_id(%barrier3A)
    %scan3A = arith.constant 0 : i32
    %scan3A_3 = arith.constant 0 : i32
    %scan3A_4 = arith.constant 8 : i32
    %scan3A_5 = arith.addi %scan3A_3, %scan3A_4 : i32
    %scan3A_6 = arith.constant 1 : i32
    %scan3A_7 = scf.for %scan3A_14 = %scan3A_3 to %scan3A_5 step %scan3A_6 iter_args(%scan3A_15 = %scan3A) -> (i32)  : i32 {
      %mul3A_16 = arith.constant 40 : i32
      %mul3A_17 = arith.muli %scan3A_14, %mul3A_16 : i32
      "tpu.region"() ({
        %run_scoped3A = tpu.sem_alloc : memref<!tpu.dma_semaphore, #tpu.memory_space<semaphore_mem>>
        %dma_start3A_47 = arith.constant 0 : i32
        %dma_start3A_48 = tpu.memref_slice %arg3[%arg0, %arg1, %mul3A_17, %dma_start3A_47] : memref<2x16x320x32xi32, #tpu.memory_space<hbm>> -> memref<1x1x40x32xi32, #tpu.memory_space<hbm>>
        %dma_start3A_49 = tpu.memref_squeeze %dma_start3A_48 : memref<1x1x40x32xi32, #tpu.memory_space<hbm>> -> memref<40x32xi32, #tpu.memory_space<hbm>>
        %dma_start3A_50 = arith.constant 0 : i32
        %dma_start3A_51 = tpu.memref_slice %arg3[%arg0, %arg1, %mul3A_17, %dma_start3A_50] : memref<2x16x320x32xi32, #tpu.memory_space<hbm>> -> memref<1x1x40x32xi32, #tpu.memory_space<hbm>>
        %dma_start3A_52 = tpu.memref_squeeze %dma_start3A_51 : memref<1x1x40x32xi32, #tpu.memory_space<hbm>> -> memref<40x32xi32, #tpu.memory_space<hbm>>
        tpu.enqueue_dma source(%dma_start3A_52 : memref<40x32xi32, #tpu.memory_space<hbm>>) target(%arg8 : memref<40x32xi32, #tpu.memory_space<vmem>>) target_semaphore(%run_scoped3A : memref<!tpu.dma_semaphore, #tpu.memory_space<semaphore_mem>>)
        %dma_wait3A_53 = arith.constant 0 : i32
        %dma_wait3A_54 = tpu.memref_slice %arg3[%arg0, %arg1, %mul3A_17, %dma_wait3A_53] : memref<2x16x320x32xi32, #tpu.memory_space<hbm>> -> memref<1x1x40x32xi32, #tpu.memory_space<hbm>>
        %dma_wait3A_55 = tpu.memref_squeeze %dma_wait3A_54 : memref<1x1x40x32xi32, #tpu.memory_space<hbm>> -> memref<40x32xi32, #tpu.memory_space<hbm>>
        %dma_wait3A_56 = arith.constant 0 : i32
        %dma_wait3A_57 = tpu.memref_slice %arg3[%arg0, %arg1, %mul3A_17, %dma_wait3A_56] : memref<2x16x320x32xi32, #tpu.memory_space<hbm>> -> memref<1x1x40x32xi32, #tpu.memory_space<hbm>>
        %dma_wait3A_58 = tpu.memref_squeeze %dma_wait3A_57 : memref<1x1x40x32xi32, #tpu.memory_space<hbm>> -> memref<40x32xi32, #tpu.memory_space<hbm>>
        tpu.wait_dma2 semaphore(%run_scoped3A : memref<!tpu.dma_semaphore, #tpu.memory_space<semaphore_mem>>) src(%dma_wait3A_58 : memref<40x32xi32, #tpu.memory_space<hbm>>) dst(%arg8 : memref<40x32xi32, #tpu.memory_space<vmem>>)
        tpu.yield
      }) : () -> ()
      %mul3A_18 = arith.constant 40 : i32
      %mul3A_19 = arith.muli %scan3A_14, %mul3A_18 : i32
      "tpu.region"() ({
        %run_scoped3A = tpu.sem_alloc : memref<!tpu.dma_semaphore, #tpu.memory_space<semaphore_mem>>
        %dma_start3A_47 = arith.constant 0 : i32
        %dma_start3A_48 = tpu.memref_slice %arg4[%arg0, %arg1, %mul3A_19, %dma_start3A_47] : memref<2x16x320x32xi32, #tpu.memory_space<hbm>> -> memref<1x1x40x32xi32, #tpu.memory_space<hbm>>
        %dma_start3A_49 = tpu.memref_squeeze %dma_start3A_48 : memref<1x1x40x32xi32, #tpu.memory_space<hbm>> -> memref<40x32xi32, #tpu.memory_space<hbm>>
        %dma_start3A_50 = arith.constant 0 : i32
        %dma_start3A_51 = tpu.memref_slice %arg4[%arg0, %arg1, %mul3A_19, %dma_start3A_50] : memref<2x16x320x32xi32, #tpu.memory_space<hbm>> -> memref<1x1x40x32xi32, #tpu.memory_space<hbm>>
        %dma_start3A_52 = tpu.memref_squeeze %dma_start3A_51 : memref<1x1x40x32xi32, #tpu.memory_space<hbm>> -> memref<40x32xi32, #tpu.memory_space<hbm>>
        tpu.enqueue_dma source(%dma_start3A_52 : memref<40x32xi32, #tpu.memory_space<hbm>>) target(%arg9 : memref<40x32xi32, #tpu.memory_space<vmem>>) target_semaphore(%run_scoped3A : memref<!tpu.dma_semaphore, #tpu.memory_space<semaphore_mem>>)
        %dma_wait3A_53 = arith.constant 0 : i32
        %dma_wait3A_54 = tpu.memref_slice %arg4[%arg0, %arg1, %mul3A_19, %dma_wait3A_53] : memref<2x16x320x32xi32, #tpu.memory_space<hbm>> -> memref<1x1x40x32xi32, #tpu.memory_space<hbm>>
        %dma_wait3A_55 = tpu.memref_squeeze %dma_wait3A_54 : memref<1x1x40x32xi32, #tpu.memory_space<hbm>> -> memref<40x32xi32, #tpu.memory_space<hbm>>
        %dma_wait3A_56 = arith.constant 0 : i32
        %dma_wait3A_57 = tpu.memref_slice %arg4[%arg0, %arg1, %mul3A_19, %dma_wait3A_56] : memref<2x16x320x32xi32, #tpu.memory_space<hbm>> -> memref<1x1x40x32xi32, #tpu.memory_space<hbm>>
        %dma_wait3A_58 = tpu.memref_squeeze %dma_wait3A_57 : memref<1x1x40x32xi32, #tpu.memory_space<hbm>> -> memref<40x32xi32, #tpu.memory_space<hbm>>
        tpu.wait_dma2 semaphore(%run_scoped3A : memref<!tpu.dma_semaphore, #tpu.memory_space<semaphore_mem>>) src(%dma_wait3A_58 : memref<40x32xi32, #tpu.memory_space<hbm>>) dst(%arg9 : memref<40x32xi32, #tpu.memory_space<vmem>>)
        tpu.yield
      }) : () -> ()
      %dma_start3A = arith.constant 0 : i32
      %dma_start3A_20 = arith.constant 0 : i32
      %dma_start3A_21 = tpu.memref_slice %arg8[%dma_start3A, %dma_start3A_20] : memref<40x32xi32, #tpu.memory_space<vmem>> -> memref<1x32xi32, #tpu.memory_space<vmem>>
      %dma_start3A_22 = tpu.memref_squeeze %dma_start3A_21 : memref<1x32xi32, #tpu.memory_space<vmem>> -> memref<32xi32, #tpu.memory_space<vmem>>
      %dma_start3A_23 = arith.constant 0 : i32
      %dma_start3A_24 = arith.constant 0 : i32
      %dma_start3A_25 = tpu.memref_slice %arg2[%dma_start3A_23, %dma_start3A_24] : memref<10000x128xf32, #tpu.memory_space<hbm>> -> memref<10000x128xf32, #tpu.memory_space<hbm>>
      tpu.enqueue_indirect_dma source(%dma_start3A_25 : memref<10000x128xf32, #tpu.memory_space<hbm>>) target(%arg10 : memref<32x128xf32, #tpu.memory_space<vmem>>) offsets(%dma_start3A_22 : memref<32xi32, #tpu.memory_space<vmem>>) semaphore(%arg12 : memref<!tpu.dma_semaphore, #tpu.memory_space<semaphore_mem>>)
      %scan3A_26 = arith.constant 0 : i32
      %scan3A_27 = arith.constant 0 : i32
      %scan3A_28 = arith.constant 20 : i32
      %scan3A_29 = arith.addi %scan3A_27, %scan3A_28 : i32
      %scan3A_30 = arith.constant 1 : i32
      %scan3A_31 = scf.for %scan3A_47 = %scan3A_27 to %scan3A_29 step %scan3A_30 iter_args(%scan3A_48 = %scan3A_26) -> (i32)  : i32 {
        %mul3A_49 = arith.constant 2 : i32
        %mul3A_50 = arith.muli %mul3A_49, %scan3A_47 : i32
        %add3A = arith.constant 1 : i32
        %add3A_51 = arith.addi %mul3A_50, %add3A : i32
        %gt3A = arith.constant 0 : i32
        %gt3A_52 = arith.cmpi sgt, %scan3A_47, %gt3A : i32
        %convert_element_type3A = arith.extui %gt3A_52 : i1 to i32
        %cond3A = arith.constant 0 : i32
        %cond3A_53 = arith.cmpi ne, %convert_element_type3A, %cond3A : i32
        scf.if %cond3A_53 {
          %dma_wait3A_91 = arith.constant 0 : i32
          %dma_wait3A_92 = arith.constant 0 : i32
          %dma_wait3A_93 = tpu.memref_slice %arg9[%dma_wait3A_91, %dma_wait3A_92] : memref<40x32xi32, #tpu.memory_space<vmem>> -> memref<1x32xi32, #tpu.memory_space<vmem>>
          %dma_wait3A_94 = tpu.memref_squeeze %dma_wait3A_93 : memref<1x32xi32, #tpu.memory_space<vmem>> -> memref<32xi32, #tpu.memory_space<vmem>>
          %dma_wait3A_95 = arith.constant 0 : i32
          %dma_wait3A_96 = arith.constant 0 : i32
          %dma_wait3A_97 = tpu.memref_slice %arg7[%dma_wait3A_95, %dma_wait3A_96] : memref<10112x128xf32, #tpu.memory_space<vmem_shared>> -> memref<10112x128xf32, #tpu.memory_space<vmem_shared>>
          tpu.wait_indirect_dma semaphore(%arg15 : memref<!tpu.dma_semaphore, #tpu.memory_space<semaphore_mem>>) src(%arg11 : memref<32x128xf32, #tpu.memory_space<vmem>>) dst(%dma_wait3A_97 : memref<10112x128xf32, #tpu.memory_space<vmem_shared>>)
        } else {
        }
        %dma_start3A_54 = arith.constant 0 : i32
        %dma_start3A_55 = tpu.memref_slice %arg8[%add3A_51, %dma_start3A_54] : memref<40x32xi32, #tpu.memory_space<vmem>> -> memref<1x32xi32, #tpu.memory_space<vmem>>
        %dma_start3A_56 = tpu.memref_squeeze %dma_start3A_55 : memref<1x32xi32, #tpu.memory_space<vmem>> -> memref<32xi32, #tpu.memory_space<vmem>>
        %dma_start3A_57 = arith.constant 0 : i32
        %dma_start3A_58 = arith.constant 0 : i32
        %dma_start3A_59 = tpu.memref_slice %arg2[%dma_start3A_57, %dma_start3A_58] : memref<10000x128xf32, #tpu.memory_space<hbm>> -> memref<10000x128xf32, #tpu.memory_space<hbm>>
        tpu.enqueue_indirect_dma source(%dma_start3A_59 : memref<10000x128xf32, #tpu.memory_space<hbm>>) target(%arg11 : memref<32x128xf32, #tpu.memory_space<vmem>>) offsets(%dma_start3A_56 : memref<32xi32, #tpu.memory_space<vmem>>) semaphore(%arg13 : memref<!tpu.dma_semaphore, #tpu.memory_space<semaphore_mem>>)
        %dma_wait3A_60 = arith.constant 0 : i32
        %dma_wait3A_61 = tpu.memref_slice %arg8[%mul3A_50, %dma_wait3A_60] : memref<40x32xi32, #tpu.memory_space<vmem>> -> memref<1x32xi32, #tpu.memory_space<vmem>>
        %dma_wait3A_62 = tpu.memref_squeeze %dma_wait3A_61 : memref<1x32xi32, #tpu.memory_space<vmem>> -> memref<32xi32, #tpu.memory_space<vmem>>
        %dma_wait3A_63 = arith.constant 0 : i32
        %dma_wait3A_64 = arith.constant 0 : i32
        %dma_wait3A_65 = tpu.memref_slice %arg2[%dma_wait3A_63, %dma_wait3A_64] : memref<10000x128xf32, #tpu.memory_space<hbm>> -> memref<10000x128xf32, #tpu.memory_space<hbm>>
        tpu.wait_indirect_dma semaphore(%arg12 : memref<!tpu.dma_semaphore, #tpu.memory_space<semaphore_mem>>) src(%dma_wait3A_65 : memref<10000x128xf32, #tpu.memory_space<hbm>>) dst(%arg10 : memref<32x128xf32, #tpu.memory_space<vmem>>)
        %dma_start3A_66 = arith.constant 0 : i32
        %dma_start3A_67 = tpu.memref_slice %arg9[%mul3A_50, %dma_start3A_66] : memref<40x32xi32, #tpu.memory_space<vmem>> -> memref<1x32xi32, #tpu.memory_space<vmem>>
        %dma_start3A_68 = tpu.memref_squeeze %dma_start3A_67 : memref<1x32xi32, #tpu.memory_space<vmem>> -> memref<32xi32, #tpu.memory_space<vmem>>
        %dma_start3A_69 = arith.constant 0 : i32
        %dma_start3A_70 = arith.constant 0 : i32
        %dma_start3A_71 = tpu.memref_slice %arg7[%dma_start3A_69, %dma_start3A_70] : memref<10112x128xf32, #tpu.memory_space<vmem_shared>> -> memref<10112x128xf32, #tpu.memory_space<vmem_shared>>
        tpu.enqueue_indirect_dma source(%arg10 : memref<32x128xf32, #tpu.memory_space<vmem>>) target(%dma_start3A_71 : memref<10112x128xf32, #tpu.memory_space<vmem_shared>>) offsets(%dma_start3A_68 : memref<32xi32, #tpu.memory_space<vmem>>) semaphore(%arg14 : memref<!tpu.dma_semaphore, #tpu.memory_space<semaphore_mem>>) {add = true}
        %add3A_72 = arith.constant 1 : i32
        %add3A_73 = arith.addi %add3A_51, %add3A_72 : i32
        %lt3A = arith.constant 40 : i32
        %lt3A_74 = arith.cmpi slt, %add3A_73, %lt3A : i32
        %convert_element_type3A_75 = arith.extui %lt3A_74 : i1 to i32
        %cond3A_76 = arith.constant 0 : i32
        %cond3A_77 = arith.cmpi ne, %convert_element_type3A_75, %cond3A_76 : i32
        scf.if %cond3A_77 {
          %dma_wait3A_91 = arith.constant 0 : i32
          %dma_wait3A_92 = arith.constant 0 : i32
          %dma_wait3A_93 = tpu.memref_slice %arg9[%dma_wait3A_91, %dma_wait3A_92] : memref<40x32xi32, #tpu.memory_space<vmem>> -> memref<1x32xi32, #tpu.memory_space<vmem>>
          %dma_wait3A_94 = tpu.memref_squeeze %dma_wait3A_93 : memref<1x32xi32, #tpu.memory_space<vmem>> -> memref<32xi32, #tpu.memory_space<vmem>>
          %dma_wait3A_95 = arith.constant 0 : i32
          %dma_wait3A_96 = arith.constant 0 : i32
          %dma_wait3A_97 = tpu.memref_slice %arg7[%dma_wait3A_95, %dma_wait3A_96] : memref<10112x128xf32, #tpu.memory_space<vmem_shared>> -> memref<10112x128xf32, #tpu.memory_space<vmem_shared>>
          tpu.wait_indirect_dma semaphore(%arg14 : memref<!tpu.dma_semaphore, #tpu.memory_space<semaphore_mem>>) src(%arg10 : memref<32x128xf32, #tpu.memory_space<vmem>>) dst(%dma_wait3A_97 : memref<10112x128xf32, #tpu.memory_space<vmem_shared>>)
          %add3A_98 = arith.constant 1 : i32
          %add3A_99 = arith.addi %add3A_51, %add3A_98 : i32
          %dma_start3A_100 = arith.constant 0 : i32
          %dma_start3A_101 = tpu.memref_slice %arg8[%add3A_99, %dma_start3A_100] : memref<40x32xi32, #tpu.memory_space<vmem>> -> memref<1x32xi32, #tpu.memory_space<vmem>>
          %dma_start3A_102 = tpu.memref_squeeze %dma_start3A_101 : memref<1x32xi32, #tpu.memory_space<vmem>> -> memref<32xi32, #tpu.memory_space<vmem>>
          %dma_start3A_103 = arith.constant 0 : i32
          %dma_start3A_104 = arith.constant 0 : i32
          %dma_start3A_105 = tpu.memref_slice %arg2[%dma_start3A_103, %dma_start3A_104] : memref<10000x128xf32, #tpu.memory_space<hbm>> -> memref<10000x128xf32, #tpu.memory_space<hbm>>
          tpu.enqueue_indirect_dma source(%dma_start3A_105 : memref<10000x128xf32, #tpu.memory_space<hbm>>) target(%arg10 : memref<32x128xf32, #tpu.memory_space<vmem>>) offsets(%dma_start3A_102 : memref<32xi32, #tpu.memory_space<vmem>>) semaphore(%arg12 : memref<!tpu.dma_semaphore, #tpu.memory_space<semaphore_mem>>)
        } else {
        }
        %dma_wait3A_78 = arith.constant 0 : i32
        %dma_wait3A_79 = tpu.memref_slice %arg8[%add3A_51, %dma_wait3A_78] : memref<40x32xi32, #tpu.memory_space<vmem>> -> memref<1x32xi32, #tpu.memory_space<vmem>>
        %dma_wait3A_80 = tpu.memref_squeeze %dma_wait3A_79 : memref<1x32xi32, #tpu.memory_space<vmem>> -> memref<32xi32, #tpu.memory_space<vmem>>
        %dma_wait3A_81 = arith.constant 0 : i32
        %dma_wait3A_82 = arith.constant 0 : i32
        %dma_wait3A_83 = tpu.memref_slice %arg2[%dma_wait3A_81, %dma_wait3A_82] : memref<10000x128xf32, #tpu.memory_space<hbm>> -> memref<10000x128xf32, #tpu.memory_space<hbm>>
        tpu.wait_indirect_dma semaphore(%arg13 : memref<!tpu.dma_semaphore, #tpu.memory_space<semaphore_mem>>) src(%dma_wait3A_83 : memref<10000x128xf32, #tpu.memory_space<hbm>>) dst(%arg11 : memref<32x128xf32, #tpu.memory_space<vmem>>)
        %dma_start3A_84 = arith.constant 0 : i32
        %dma_start3A_85 = tpu.memref_slice %arg9[%add3A_51, %dma_start3A_84] : memref<40x32xi32, #tpu.memory_space<vmem>> -> memref<1x32xi32, #tpu.memory_space<vmem>>
        %dma_start3A_86 = tpu.memref_squeeze %dma_start3A_85 : memref<1x32xi32, #tpu.memory_space<vmem>> -> memref<32xi32, #tpu.memory_space<vmem>>
        %dma_start3A_87 = arith.constant 0 : i32
        %dma_start3A_88 = arith.constant 0 : i32
        %dma_start3A_89 = tpu.memref_slice %arg7[%dma_start3A_87, %dma_start3A_88] : memref<10112x128xf32, #tpu.memory_space<vmem_shared>> -> memref<10112x128xf32, #tpu.memory_space<vmem_shared>>
        tpu.enqueue_indirect_dma source(%arg11 : memref<32x128xf32, #tpu.memory_space<vmem>>) target(%dma_start3A_89 : memref<10112x128xf32, #tpu.memory_space<vmem_shared>>) offsets(%dma_start3A_86 : memref<32xi32, #tpu.memory_space<vmem>>) semaphore(%arg15 : memref<!tpu.dma_semaphore, #tpu.memory_space<semaphore_mem>>) {add = true}
        %scan3A_90 = arith.constant 0 : i32
        scf.yield %scan3A_90 : i32
      }
      %scan3A_32 = arith.constant 20 : i32
      %dma_wait3A = arith.constant 0 : i32
      %dma_wait3A_33 = arith.constant 0 : i32
      %dma_wait3A_34 = tpu.memref_slice %arg9[%dma_wait3A, %dma_wait3A_33] : memref<40x32xi32, #tpu.memory_space<vmem>> -> memref<1x32xi32, #tpu.memory_space<vmem>>
      %dma_wait3A_35 = tpu.memref_squeeze %dma_wait3A_34 : memref<1x32xi32, #tpu.memory_space<vmem>> -> memref<32xi32, #tpu.memory_space<vmem>>
      %dma_wait3A_36 = arith.constant 0 : i32
      %dma_wait3A_37 = arith.constant 0 : i32
      %dma_wait3A_38 = tpu.memref_slice %arg7[%dma_wait3A_36, %dma_wait3A_37] : memref<10112x128xf32, #tpu.memory_space<vmem_shared>> -> memref<10112x128xf32, #tpu.memory_space<vmem_shared>>
      tpu.wait_indirect_dma semaphore(%arg14 : memref<!tpu.dma_semaphore, #tpu.memory_space<semaphore_mem>>) src(%arg10 : memref<32x128xf32, #tpu.memory_space<vmem>>) dst(%dma_wait3A_38 : memref<10112x128xf32, #tpu.memory_space<vmem_shared>>)
      %dma_wait3A_39 = arith.constant 0 : i32
      %dma_wait3A_40 = arith.constant 0 : i32
      %dma_wait3A_41 = tpu.memref_slice %arg9[%dma_wait3A_39, %dma_wait3A_40] : memref<40x32xi32, #tpu.memory_space<vmem>> -> memref<1x32xi32, #tpu.memory_space<vmem>>
      %dma_wait3A_42 = tpu.memref_squeeze %dma_wait3A_41 : memref<1x32xi32, #tpu.memory_space<vmem>> -> memref<32xi32, #tpu.memory_space<vmem>>
      %dma_wait3A_43 = arith.constant 0 : i32
      %dma_wait3A_44 = arith.constant 0 : i32
      %dma_wait3A_45 = tpu.memref_slice %arg7[%dma_wait3A_43, %dma_wait3A_44] : memref<10112x128xf32, #tpu.memory_space<vmem_shared>> -> memref<10112x128xf32, #tpu.memory_space<vmem_shared>>
      tpu.wait_indirect_dma semaphore(%arg15 : memref<!tpu.dma_semaphore, #tpu.memory_space<semaphore_mem>>) src(%arg11 : memref<32x128xf32, #tpu.memory_space<vmem>>) dst(%dma_wait3A_45 : memref<10112x128xf32, #tpu.memory_space<vmem_shared>>)
      %scan3A_46 = arith.constant 0 : i32
      scf.yield %scan3A_46 : i32
    }
    %scan3A_8 = arith.constant 8 : i32
    %barrier3A_9 = arith.constant 0 : index
    tpu.barrier barrier_id(%barrier3A_9)
    %mul3A_10 = arith.constant 632 : i32
    %mul3A_11 = arith.muli %arg1, %mul3A_10 : i32
    %mul3A_12 = arith.constant 632 : i32
    %mul3A_13 = arith.muli %arg1, %mul3A_12 : i32
    "tpu.region"() ({
      %run_scoped3A = tpu.sem_alloc : memref<!tpu.dma_semaphore, #tpu.memory_space<semaphore_mem>>
      %dma_start3A = arith.constant 0 : i32
      %dma_start3A_14 = tpu.memref_slice %arg6[%arg0, %mul3A_13, %dma_start3A] : memref<2x10112x128xf32, #tpu.memory_space<hbm>> -> memref<1x632x128xf32, #tpu.memory_space<hbm>>
      %dma_start3A_15 = tpu.memref_squeeze %dma_start3A_14 : memref<1x632x128xf32, #tpu.memory_space<hbm>> -> memref<632x128xf32, #tpu.memory_space<hbm>>
      %dma_start3A_16 = arith.constant 0 : i32
      %dma_start3A_17 = tpu.memref_slice %arg7[%mul3A_11, %dma_start3A_16] : memref<10112x128xf32, #tpu.memory_space<vmem_shared>> -> memref<632x128xf32, #tpu.memory_space<vmem_shared>>
      tpu.enqueue_dma source(%dma_start3A_17 : memref<632x128xf32, #tpu.memory_space<vmem_shared>>) target(%dma_start3A_15 : memref<632x128xf32, #tpu.memory_space<hbm>>) target_semaphore(%run_scoped3A : memref<!tpu.dma_semaphore, #tpu.memory_space<semaphore_mem>>)
      %dma_wait3A = arith.constant 0 : i32
      %dma_wait3A_18 = tpu.memref_slice %arg6[%arg0, %mul3A_13, %dma_wait3A] : memref<2x10112x128xf32, #tpu.memory_space<hbm>> -> memref<1x632x128xf32, #tpu.memory_space<hbm>>
      %dma_wait3A_19 = tpu.memref_squeeze %dma_wait3A_18 : memref<1x632x128xf32, #tpu.memory_space<hbm>> -> memref<632x128xf32, #tpu.memory_space<hbm>>
      %dma_wait3A_20 = arith.constant 0 : i32
      %dma_wait3A_21 = tpu.memref_slice %arg7[%mul3A_11, %dma_wait3A_20] : memref<10112x128xf32, #tpu.memory_space<vmem_shared>> -> memref<632x128xf32, #tpu.memory_space<vmem_shared>>
      tpu.wait_dma2 semaphore(%run_scoped3A : memref<!tpu.dma_semaphore, #tpu.memory_space<semaphore_mem>>) src(%dma_wait3A_21 : memref<632x128xf32, #tpu.memory_space<vmem_shared>>) dst(%dma_wait3A_19 : memref<632x128xf32, #tpu.memory_space<hbm>>)
      tpu.yield
    }) : () -> ()
    return
  }
}

</mosaic_0001>

<sc_bundles>
// kernel: _sc_segsum.3.cloned.1.call-start
scs
__scs_entry_jumppad:
0x0: {  	(pc) =	sbr.rel $0x88, $3  }
0x1: {  	(tag) =	ssettag $0x0;
	lr =	simm.s32 $0x1  }
0x2: {  	[smem:$0x3F9D] =	sst lr;
	_ =	strace $0xD0000000  }
0x3: {  	_ = 	snop  }
0x4: {  	_ = 	snop  }
0x5: {  	_ = 	snop  }
0x6: {  	_ = 	snop  }
0x7: {  	_ = 	snop  }
__scs_overlays_trampoline_lowered:
0x8: {  	[smem:$0x3FAC] =	sst s0  }
0x9: {  	[smem:$0x3FAD] =	sst s1  }
0xa: {  	[smem:$0x3FAE] =	sst s2  }
0xb: {  	[smem:$0x3FAF] =	sst s3  }
0xc: {  	[smem:$0x3FB0] =	sst s4  }
0xd: {  	[smem:$0x3FB1] =	sst s5  }
0xe: {  	[smem:$0x3FB2] =	sst s6  }
0xf: {  	[smem:$0x3FB3] =	sst s7  }
0x10: {  	[smem:$0x3FB4] =	sst s8  }
0x11: {  	[smem:$0x3FB5] =	sst s9;
	s0 =	simm.s32 @!p0 $0x0  }
0x12: {  	s1 =	sld [smem:$0x3F9B];
	s0 =	simm.s32 @p0 $0x1  }
0x13: {  	[smem:$0x3FB6] =	sst s0;
	s0 =	simm.s32 @!p1 $0x0  }
0x14: {  	s2 =	sld [smem:$0x3F9A];
	s0 =	simm.s32 @p1 $0x1  }
0x15: {  	[smem:$0x3FB7] =	sst s0;
	s0 =	simm.s32 @!p2 $0x0  }
0x16: {  	s3 =	sld [smem:$0x3FDB];
	s0 =	simm.s32 @p2 $0x1  }
0x17: {  	s4 =	simm.s32 $0x1BF5;
	[smem:$0x3FB9] =	sst s0  }
0x18: {  	s0 =	sld [smem:$0x3F9C];
	_ =	swait.ge [sflag:s4], $0x0  }
0x19: {  	s7 =	sld [smem:$0x3F9D]  }
0x1a: {  	s8 =	sadd.s32 $0xFFFFE003, lr  }
0x1b: {  	s9 =	sadd.s32 $0xFFFFFEF7, lr;
	s5 =	simm.s32 $0xFFFFFFFF;
	p2 =	slt.u32 s8, $0xFFFFF086  }
0x1c: {  	p1 =	slt.u32 s9, $0xF7A;
	s5 =	simm.s32 @!p2 $0x0  }
0x1d: {  	s5 =	simm.s32 @p1 $0x1;
	p0 =	seq.s32 s7, s2  }
0x1e: {  	s7 =	smul.u32 @!p0 $0xF7A, s2;
	p2 =	seq.s32 @!p0 s5, $0x0  }
0x1f: {  	s9 =	smul.u32 $0xF7A, s1;
	s8 =	simm.s32 @!p0 $0x1BF5;
	p2 =	por !p2, p0  }
0x20: {  	[sflag:s8] =	ssyncset.s32 @!p0 $0xFFFFF086;
	s6 =	sadd.s32 @!p0 s3, s7;
	s7 =	simm.s32 @!p0 $0x108  }
0x21: {  	s3 =	sadd.s32 s3, s9;
	s6 =	sadd.s32 @!p0 $0x88, s6;
	s7 =	simm.s32 @p2 $0x1082  }
0x22: {  	[simem:s7], [sflag:s8] =	dma.local @!p0 [hbm:s6], $0xF7A  }
0x23: {  	s9 =	sor.u32 $0xD0000000, s2;
	s6 =	simm.s32 $0x108;
	_ =	swait.ge @!p0 [sflag:s8], $0x0  }
0x24: {  	s3 =	sadd.s32 $0x88, s3;
	s6 =	simm.s32 @!p1 $0x1082;
	[sflag:s4] =	ssyncset.s32 $0xFFFFF086  }
0x25: {  	[simem:s6], [sflag:s4] =	dma.local [hbm:s3], $0xF7A  }
0x26: {  	[smem:$0x3F9D] =	sst s1;
	(tag) =	ssettag s2;
	_ =	strace s9  }
0x27: {  	s1 =	sld [smem:$0x3FAD]  }
0x28: {  	s2 =	sld [smem:$0x3FAE]  }
0x29: {  	s4 =	sld [smem:$0x3FB0]  }
0x2a: {  	p0 =	seq.s32 s5, $0x0;
	s5 =	sld [smem:$0x3FB1]  }
0x2b: {  	s6 =	sld [smem:$0x3FB2]  }
0x2c: {  	s7 =	sld [smem:$0x3FB3]  }
0x2d: {  	s3 =	simm.s32 $0x108;
	s8 =	sld [smem:$0x3FB4]  }
0x2e: {  	s3 =	simm.s32 @!p0 $0x1082;
	s9 =	sld [smem:$0x3FB5]  }
0x2f: {  	lr =	sadd.s32 s0, s3;
	s0 =	sld [smem:$0x3FAC]  }
0x30: {  	s3 =	sld [smem:$0x3FAF]  }
0x31: {  	[smem:$0x3FB8] =	sst s10  }
0x32: {  	s10 =	sld [smem:$0x3FB6];
	_ =	sdelay $0x3  }
0x33: {  	p0 =	seq.s32 s10, $0x1;
	s10 =	sld [smem:$0x3FB8];
	_ =	sdelay $0x3  }
0x34: {  	[smem:$0x3FB8] =	sst s10  }
0x35: {  	s10 =	sld [smem:$0x3FB7];
	_ =	sdelay $0x3  }
0x36: {  	p1 =	seq.s32 s10, $0x1;
	s10 =	sld [smem:$0x3FB8];
	_ =	sdelay $0x3  }
0x37: {  	[smem:$0x3FB8] =	sst s10  }
0x38: {  	s10 =	sld [smem:$0x3FB9]  }
0x39: {  	_ = 	snop;
	(pc) =	sbr.ind lr, $3  }
0x3a: {  	_ = 	snop  }
0x3b: {  	_ = 	snop  }
0x3c: {  	p2 =	seq.s32 s10, $0x1;
	s10 =	sld [smem:$0x3FB8]  }
0x3d: {  	_ =	shalt  }
0x3e: {  	_ =	shalt  }
0x3f: {  	_ =	shalt  }
0x40: {  	_ =	shalt  }
0x41: {  	_ =	shalt  }
0x42: {  	_ =	shalt  }
0x43: {  	_ =	shalt  }
0x44: {  	_ =	shalt  }
0x45: {  	_ =	shalt  }
0x46: {  	_ =	shalt  }
0x47: {  	_ =	shalt  }
0x48: {  	_ =	shalt  }
0x49: {  	_ =	shalt  }
0x4a: {  	_ =	shalt  }
0x4b: {  	_ =	shalt  }
0x4c: {  	_ =	shalt  }
0x4d: {  	_ =	shalt  }
0x4e: {  	_ =	shalt  }
0x4f: {  	_ =	shalt  }
0x50: {  	_ =	shalt  }
0x51: {  	_ =	shalt  }
0x52: {  	_ =	shalt  }
0x53: {  	_ =	shalt  }
0x54: {  	_ =	shalt  }
0x55: {  	_ =	shalt  }
0x56: {  	_ =	shalt  }
0x57: {  	_ =	shalt  }
0x58: {  	_ =	shalt  }
0x59: {  	_ =	shalt  }
0x5a: {  	_ =	shalt  }
0x5b: {  	_ =	shalt  }
0x5c: {  	_ =	shalt  }
0x5d: {  	_ =	shalt  }
0x5e: {  	_ =	shalt  }
0x5f: {  	_ =	shalt  }
0x60: {  	_ =	shalt  }
0x61: {  	_ =	shalt  }
0x62: {  	_ =	shalt  }
0x63: {  	_ =	shalt  }
0x64: {  	_ =	shalt  }
0x65: {  	_ =	shalt  }
0x66: {  	_ =	shalt  }
0x67: {  	_ =	shalt  }
0x68: {  	_ =	shalt  }
0x69: {  	_ =	shalt  }
0x6a: {  	_ =	shalt  }
0x6b: {  	_ =	shalt  }
0x6c: {  	_ =	shalt  }
0x6d: {  	_ =	shalt  }
0x6e: {  	_ =	shalt  }
0x6f: {  	_ =	shalt  }
0x70: {  	_ =	shalt  }
0x71: {  	_ =	shalt  }
0x72: {  	_ =	shalt  }
0x73: {  	_ =	shalt  }
0x74: {  	_ =	shalt  }
0x75: {  	_ =	shalt  }
0x76: {  	_ =	shalt  }
0x77: {  	_ =	shalt  }
0x78: {  	_ =	shalt  }
0x79: {  	_ =	shalt  }
0x7a: {  	_ =	shalt  }
0x7b: {  	_ =	shalt  }
0x7c: {  	_ =	shalt  }
0x7d: {  	_ =	shalt  }
0x7e: {  	_ =	shalt  }
0x7f: {  	_ =	shalt  }
0x80: {  	_ =	shalt  }
0x81: {  	_ =	shalt  }
0x82: {  	_ =	shalt  }
0x83: {  	_ =	shalt  }
0x84: {  	_ =	shalt  }
0x85: {  	_ =	shalt  }
0x86: {  	_ =	shalt  }
0x87: {  	_ =	shalt  }
.Lfunc_end0:
.L_simem_size_0:
called_computation_lowered:
.L_overlay_start_0:
0x88: {  	s2 =	sld [smem:$0x3FD9]  }
0x89: {  	s3 =	sld [smem:$0x3FFE];
	_ =	sdelay $0x1  }
0x8a: {  	s1 =	srdreg.scid  }
0x8b: {  	s0 =	sand.u32 $0x1, s1  }
0x8c: {  	s17 =	sshll.u32 s0, $0xA;
	s2 =	sadd.s32 s3, s2  }
0x8d: {  	s2 =	sadd.s32 s2, s17  }
0x8e: {  	[smem:$0x3FC4] =	sst s2  }
0x8f: {  	_ = 	snop  }
0x90: {  	s2 =	sld [smem:$0x3FC9]  }
0x91: {  	s18 =	sld [smem:$0x3FC6]  }
0x92: {  	s4 =	sld [smem:$0x3FD0];
	(tm) =	ssettm $0x1  }
0x93: {  	s5 =	sld [smem:$0x3FFB];
	_ =	sdelay $0x3  }
0x94: {  	_ =	strace s5  }
0x95: {  	s5 =	sld [smem:$0x3FFC];
	_ =	sdelay $0x3  }
0x96: {  	_ =	strace s5  }
0x97: {  	s5 =	sld [smem:$0x3FFD];
	_ =	sdelay $0x3  }
0x98: {  	_ =	strace s5  }
0x99: {  	_ =	strace $0x8FFFFFFF  }
0x9a: {  	s19 =	sld [smem:$0x3FDB];
	_ =	sdelay $0x1  }
0x9b: {  	s6 =	simm.s32 $_scs_section_size  }
0x9c: {  	s7 =	simm.s32 $_size__tile_overlayer_lowered;
	s8 =	simm.s32 $_tile_overlayer_lowered  }
0x9d: {  	s22 =	simm.s32 $0x1BFF;
	s21 =	sshll.u32 s8, $0x1;
	s5 =	sadd.s32 s6, s19  }
0x9e: {  	s9 =	simm.s32 $0x0;
	s20 =	sshll.u32 s7, $0x1;
	s7 =	sadd.s32 s21, s5  }
0x9f: {  	[timem:s9], [sflag:s22] =	dma.local [hbm:s7], s20  }
0xa0: {  	_ =	swait.ge [sflag:s22], s20  }
0xa1: {  	s6 =	ssub.s32 $0x0, s20;
	[sflag:s22] =	ssyncset.done $0x0  }
0xa2: {  	[sflag:s22] =	ssyncadd.s32 s6;
	_ =	sdelay $0x1  }
0xa3: {  	s23 =	simm.s32 $0x1B8B  }
0xa4: {  	_ =	swait.ge [sflag:s23], $0x1  }
0xa5: {  	[sflag:s23] =	ssyncset.done $0x0  }
0xa6: {  	s25 =	simm.s32 $0x1B8E;
	s24 =	sld [smem:$0x3FFE];
	[sflag:s23] =	ssyncadd.s32 $0xFFFFFFFF  }
0xa7: {  	s26 =	simm.s32 $execute0_lowered;
	[smem:$0x3FD2] =	sst s25  }
0xa8: {  	s7 =	sshll.u32 s26, $0x1;
	_ =	strace $0x80000046;
	[dreg:$0x1] =	wrdreg $0xFFFFFFFF  }
0xa9: {  	s28 =	simm.s32 $_size_execute0_lowered;
	s5 =	sadd.s32 s5, s7;
	[dreg:$0x0] =	wrdreg $0x0  }
0xaa: {  	s7 =	sshll.u32 s28, $0x1;
	[dreg:$0x2] =	wrdreg s5  }
0xab: {  	[dreg:$0x3] =	wrdreg s7  }
0xac: {  	[dreg:$0x4] =	wrdreg $0xC0  }
0xad: {  	_ =	task [dreg:s9], $0x5FFFF  }
0xae: {  	[dreg:$0x1] =	wrdreg $0xFFFFFFFF  }
0xaf: {  	[dreg:$0x0] =	wrdreg $0x60  }
0xb0: {  	[dreg:$0x2] =	wrdreg s2  }
0xb1: {  	[dreg:$0x3] =	wrdreg s24  }
0xb2: {  	[dreg:$0x4] =	wrdreg s18  }
0xb3: {  	[dreg:$0x5] =	wrdreg s4  }
0xb4: {  	[dreg:$0x6] =	wrdreg $0x0  }
0xb5: {  	[dreg:$0x7] =	wrdreg $0x9  }
0xb6: {  	_ =	task.clear_ibuf [dreg:s9], $0x8FFFF;
	_ =	strace $0x90000046  }
0xb7: {  	s29 =	simm.s32 $0x9;
	_ =	strace $0x80000048  }
0xb8: {  	_ =	swait.ge [sflag:s29], $0x1  }
0xb9: {  	[sflag:s29] =	ssyncadd.s32 $0xFFFFFFFF  }
0xba: {  	_ =	strace $0x90000048  }
0xbb: {  	_ =	sfence  }
0xbc: {  	s30 =	sld [smem:$0x0];
	_ =	sdelay $0x2  }
0xbd: {  	s31 =	sshll.u32 s1, $0xD;
	s1 =	sshrl.u32 s1, $0x2  }
0xbe: {  	s3 =	sand.u32 $0x4000, s31;
	s1 =	sadd.s32 s1, s30  }
0xbf: {  	s0 =	sor.u32 s3, s0;
	s1 =	sshll.u32 s1, $0x11  }
0xc0: {  	s0 =	sor.u32 s1, s0  }
0xc1: {  	s0 =	sadd.s32 $0x8F2B, s0  }
0xc2: {  	[sflag:s0] =	ssyncadd.remote.s32 $0x1  }
0xc3: {  	_ =	sfence.sel $0xFFFF  }
0xc4: {  	[dreg:$0x0] =	wrdreg $0xFFFFFFFF;
	(pc) =	sbr.abs _section_cstart, $3  }
0xc5: {  	[dreg:$0x1] =	wrdreg $0xFFFFFFFF  }
0xc6: {  	_ =	task.clear_ibuf [dreg:s9], $0x2FFFF;
	_ =	strace $0x9FFFFFFF  }
0xc7: {  	(tm) =	ssettm $0x7FFFFFFF  }
tec
execute0_lowered:
.L_overlay_start_1:
0x0: {  	(tag) =	ssettag $0x1  }
0x1: {  	s1 =	rddreg [dreg:$0x0]  }
0x2: {  	s0 =	rddreg [dreg:$0x1]  }
0x3: {  	s3 =	rddreg [dreg:$0x2]  }
0x4: {  	s10 =	rddreg [dreg:$0x3]  }
0x5: {  	s2 =	rddreg [dreg:$0x4];
	s4 =	simm.s32 $0x0  }
0x6: {  	s5 =	srdreg.scid;
	s15 =	stileid.u32;
	s16 =	simm.s32 $0x20  }
0x7: {  	s17 =	simm.s32 $0x16400;
	s18 =	simm.s32 $0x13C80;
	s19 =	simm.s32 $0x17400  }
0x8: {  	s20 =	simm.s32 $0x1;
	s21 =	simm.s32 $0x3;
	s22 =	simm.s32 $0x13D00  }
0x9: {  	s28 =	simm.s32 $0x16300;
	s29 =	simm.s32 $0x16380;
	s9 =	smul.u32 $0x4F000, s15  }
0xa: {  	s30 =	simm.s32 $0x0;
	[smem:$0x7FF] =	sst s4;
	s11 =	smul.u32 $0x13C00, s15  }
0xb: {  	s7 =	sand.u32 $0x1, s5;
	s14 =	sshll.u32 s15, $0x6;
	s15 =	smul.u32 $0xA000, s15  }
0xc: {  	s5 =	sadd.s32 $0x600, s0;
	s6 =	sadd.s32 $0x28600, s0;
	s25 =	smul.u32 $0x13C000, s7  }
0xd: {  	_ =	strace $0x80000047;
	s8 =	ssub.s32 $0x2, s7;
	s13 =	smul.u32 $0xA0000, s7  }
0xe: {  	s23 =	sshrl.u32 s8, $0x1;
	s24 =	sshrl.u32 s9, $0x2;
	s26 =	sshrl.u32 s11, $0x3  }
0xf: {  	s0 =	ssub.s32 s8, s23;
	s12 =	sadd.s32 s24, s2;
	s9 =	sadd.s32 s11, s25  }
0x10: {  	s3 =	sadd.s32 s3, s26;
	s8 =	sor.u32 $0x1C05, s14;
	s14 =	simm.s32 $0x13C00  }
0x11: {  	s23 =	simm.s32 $0x2;
	s24 =	simm.s32 $0x15080;
	s25 =	simm.s32 $0x4  }
0x12: {  	s26 =	simm.s32 $0x14F80;
	[dreg:$0x6] =	wrdreg s3;
	s31 =	sshrl.u32 s9, $0x3  }
0x13: {  	s9 =	sadd.s32 s15, s13;
	s11 =	smax.u32 s0, $0x1;
	s12 =	sshrl.u32 s12, $0x3  }
0x14: {  	s13 =	simm.s32 $0x5;
	s15 =	simm.s32 $0x15000;
	s10 =	sadd.s32 s10, s31  }
.LBB2_1:
0x15: {  	s0 =	rddreg [dreg:$0x6]  }
0x16: {  	[spmem:s12], [sflag:s8] =	dma.local [hbm:s0], $0x2780  }
0x17: {  	_ =	swait.ge [sflag:s13], $0x2780  }
0x18: {  	[sflag:s13] =	ssyncset.done $0x0  }
0x19: {  	[sflag:s13] =	ssyncadd.s32 $0xFFFFD880  }
0x1a: {  	s31 =	simm.s32 $0x0;
	[bflag:$0x0] =	sbarrier.arrive $0xFFFF  }
.LBB2_2:
0x1b: {  	s0 =	smul.u32 $0x1400, s31;
	_ =	sdelay $0x1  }
0x1c: {  	s0 =	sadd.s32 s0, s9  }
0x1d: {  	s0 =	sshrl.u32 s0, $0x3  }
0x1e: {  	s3 =	sadd.s32 s5, s0  }
0x1f: {  	[tilespmem:s14], [sflag:$0x5] =	stream.linear.gather [hbm4b:s3+s4], $0x1400, $0x38;
	[tilespmem:$0x18400] =	vst v63  }
0x20: {  	_ =	swait.ge [sflag:s13], $0x1400  }
0x21: {  	[sflag:s13] =	ssyncset.done $0x0  }
0x22: {  	s0 =	sadd.s32 s6, s0;
	[sflag:s13] =	ssyncadd.s32 $0xFFFFEC00  }
0x23: {  	[tilespmem:s15], [sflag:$0x5] =	stream.linear.gather [hbm4b:s0+s4], $0x1400, $0x38;
	[tilespmem:$0x18400] =	vst v63  }
0x24: {  	_ =	swait.ge [sflag:s13], $0x1400  }
0x25: {  	[sflag:s13] =	ssyncset.done $0x0  }
0x26: {  	[sflag:s13] =	ssyncadd.s32 $0xFFFFEC00  }
0x27: {  	[tilespmem:s17], [sflag:$0x1] =	stream.indirect.gather [hbm4b:s1+s16], $0x80, s14, s16, $0xb8;
	[tilespmem:$0x18400] =	vst v63  }
0x28: {  	_ = 	snop  }
0x29: {  	[tilespmem:s19], [sflag:$0x2] =	stream.indirect.gather [hbm4b:s1+s16], $0x80, s18, s16, $0xb8;
	[tilespmem:$0x18400] =	vst v63  }
0x2a: {  	_ =	swait.ge [sflag:s20], $0x1000  }
0x2b: {  	[sflag:s20] =	ssyncset.done $0x0  }
0x2c: {  	[sflag:s20] =	ssyncadd.s32 $0xFFFFF000  }
0x2d: {  	[spmem:s2] =	stream.indirect.scatter.add.f32 [tilespmem:s17], [sflag:$0x3], $0x80, s15, s16, $0xb8;
	[tilespmem:$0x18400] =	vst v63  }
0x2e: {  	_ =	swait.ge [sflag:s21], $0x1000  }
0x2f: {  	[sflag:s21] =	ssyncset.done $0x0  }
0x30: {  	[sflag:s21] =	ssyncadd.s32 $0xFFFFF000  }
0x31: {  	[tilespmem:s17], [sflag:$0x1] =	stream.indirect.gather [hbm4b:s1+s16], $0x80, s22, s16, $0xb8;
	[tilespmem:$0x18400] =	vst v63  }
0x32: {  	_ =	swait.ge [sflag:s23], $0x1000  }
0x33: {  	[sflag:s23] =	ssyncset.done $0x0  }
0x34: {  	[sflag:s23] =	ssyncadd.s32 $0xFFFFF000  }
0x35: {  	[spmem:s2] =	stream.indirect.scatter.add.f32 [tilespmem:s19], [sflag:$0x4], $0x80, s24, s16, $0xb8;
	[tilespmem:$0x18400] =	vst v63  }
0x36: {  	_ =	swait.ge [sflag:s25], $0x1000  }
0x37: {  	[sflag:s25] =	ssyncset.done $0x0  }
0x38: {  	s7 =	simm.s32 $0x13D80;
	[sflag:s25] =	ssyncadd.s32 $0xFFFFF000  }
0x39: {  	[tilespmem:s19], [sflag:$0x2] =	stream.indirect.gather [hbm4b:s1+s16], $0x80, s7, s16, $0xb8;
	[tilespmem:$0x18400] =	vst v63  }
0x3a: {  	_ =	swait.ge [sflag:s20], $0x1000  }
0x3b: {  	[sflag:s20] =	ssyncset.done $0x0  }
0x3c: {  	s3 =	simm.s32 $0x15100;
	[sflag:s20] =	ssyncadd.s32 $0xFFFFF000  }
0x3d: {  	[spmem:s2] =	stream.indirect.scatter.add.f32 [tilespmem:s17], [sflag:$0x3], $0x80, s3, s16, $0xb8;
	[tilespmem:$0x18400] =	vst v63  }
0x3e: {  	_ =	swait.ge [sflag:s21], $0x1000  }
0x3f: {  	[sflag:s21] =	ssyncset.done $0x0  }
0x40: {  	s7 =	simm.s32 $0x13E00;
	[sflag:s21] =	ssyncadd.s32 $0xFFFFF000  }
0x41: {  	[tilespmem:s17], [sflag:$0x1] =	stream.indirect.gather [hbm4b:s1+s16], $0x80, s7, s16, $0xb8;
	[tilespmem:$0x18400] =	vst v63  }
0x42: {  	_ =	swait.ge [sflag:s23], $0x1000  }
0x43: {  	[sflag:s23] =	ssyncset.done $0x0  }
0x44: {  	s0 =	simm.s32 $0xFFFFBC00;
	s3 =	simm.s32 $0x15180;
	[sflag:s23] =	ssyncadd.s32 $0xFFFFF000  }
.LBB2_3:
0x45: {  	[spmem:s2] =	stream.indirect.scatter.add.f32 [tilespmem:s19], [sflag:$0x4], $0x80, s3, s16, $0xb8;
	[tilespmem:$0x18400] =	vst v63  }
0x46: {  	s3 =	smov.u32 s0  }
0x47: {  	p0 =	sne.s32 s0, $0xFFFFFC00;
	s0 =	sadd.s32 $0x400, s0;
	_ =	swait.ge [sflag:s25], $0x1000  }
0x48: {  	s3 =	sshra.s32 s3, $0x2;
	[sflag:s25] =	ssyncset.done $0x0  }
0x49: {  	s7 =	sadd.s32 $0x14F80, s3;
	[sflag:s25] =	ssyncadd.s32 $0xFFFFF000  }
0x4a: {  	[tilespmem:s19], [sflag:$0x2] =	stream.indirect.gather [hbm4b:s1+s16], $0x80, s7, s16, $0xb8;
	[tilespmem:$0x18400] =	vst v63  }
0x4b: {  	_ =	swait.ge [sflag:s20], $0x1000  }
0x4c: {  	[sflag:s20] =	ssyncset.done $0x0  }
0x4d: {  	s7 =	sadd.s32 $0x16300, s3;
	[sflag:s20] =	ssyncadd.s32 $0xFFFFF000  }
0x4e: {  	[spmem:s2] =	stream.indirect.scatter.add.f32 [tilespmem:s17], [sflag:$0x3], $0x80, s7, s16, $0xb8;
	[tilespmem:$0x18400] =	vst v63  }
0x4f: {  	_ =	swait.ge [sflag:s21], $0x1000  }
0x50: {  	[sflag:s21] =	ssyncset.done $0x0  }
.Ltmp0:
0x51: {  	s7 =	sadd.s32 $0x15000, s3;
	[sflag:s21] =	ssyncadd.s32 $0xFFFFF000;
	(pc) =	sbr.rel @p0 .LBB2_3-.Ltmp0, $4  }
0x52: {  	[tilespmem:s17], [sflag:$0x1] =	stream.indirect.gather [hbm4b:s1+s16], $0x80, s7, s16, $0xb8;
	[tilespmem:$0x18400] =	vst v63  }
0x53: {  	_ =	swait.ge [sflag:s23], $0x1000  }
0x54: {  	[sflag:s23] =	ssyncset.done $0x0  }
0x55: {  	s3 =	sadd.s32 $0x16380, s3;
	[sflag:s23] =	ssyncadd.s32 $0xFFFFF000  }
0x56: {  	[spmem:s2] =	stream.indirect.scatter.add.f32 [tilespmem:s19], [sflag:$0x4], $0x80, s3, s16, $0xb8;
	[tilespmem:$0x18400] =	vst v63  }
0x57: {  	_ =	swait.ge [sflag:s25], $0x1000  }
0x58: {  	[sflag:s25] =	ssyncset.done $0x0  }
0x59: {  	[sflag:s25] =	ssyncadd.s32 $0xFFFFF000  }
0x5a: {  	[tilespmem:s19], [sflag:$0x2] =	stream.indirect.gather [hbm4b:s1+s16], $0x80, s26, s16, $0xb8;
	[tilespmem:$0x18400] =	vst v63  }
0x5b: {  	_ =	swait.ge [sflag:s20], $0x1000  }
0x5c: {  	[sflag:s20] =	ssyncset.done $0x0  }
0x5d: {  	[sflag:s20] =	ssyncadd.s32 $0xFFFFF000  }
0x5e: {  	[spmem:s2] =	stream.indirect.scatter.add.f32 [tilespmem:s17], [sflag:$0x3], $0x80, s28, s16, $0xb8;
	[tilespmem:$0x18400] =	vst v63  }
0x5f: {  	_ =	swait.ge [sflag:s23], $0x1000  }
0x60: {  	[sflag:s23] =	ssyncset.done $0x0  }
0x61: {  	s31 =	sadd.s32 $0x1, s31;
	[sflag:s23] =	ssyncadd.s32 $0xFFFFF000  }
0x62: {  	[spmem:s2] =	stream.indirect.scatter.add.f32 [tilespmem:s19], [sflag:$0x4], $0x80, s29, s16, $0xb8;
	[tilespmem:$0x18400] =	vst v63  }
0x63: {  	p0 =	sne.s32 s31, $0x8;
	_ =	swait.ge [sflag:s21], $0x1000  }
.Ltmp1:
0x64: {  	[sflag:s21] =	ssyncset.done $0x0;
	(pc) =	sbr.rel @p0 .LBB2_2-.Ltmp1, $4  }
0x65: {  	[sflag:s21] =	ssyncadd.s32 $0xFFFFF000  }
0x66: {  	_ =	swait.ge [sflag:s25], $0x1000  }
0x67: {  	[sflag:s25] =	ssyncset.done $0x0  }
0x68: {  	[sflag:s25] =	ssyncadd.s32 $0xFFFFF000  }
0x69: {  	s30 =	sadd.s32 $0x1, s30  }
0x6a: {  	p0 =	sne.s32 s30, s11  }
.Ltmp2:
0x6b: {  	[bflag:$0x0] =	sbarrier.arrive $0xFFFF;
	(pc) =	sbr.rel @p0 .LBB2_1-.Ltmp2, $4  }
0x6c: {  	[hbm:s10], [sflag:s8] =	dma.local [spmem:s12], $0x2780  }
0x6d: {  	_ =	swait.ge [sflag:s13], $0x2780  }
0x6e: {  	[sflag:s13] =	ssyncset.done $0x0  }
0x6f: {  	[sflag:s13] =	ssyncadd.s32 $0xFFFFD880  }
0x70: {  	_ =	sfence.sel $0x180000  }
0x71: {  	[bflag:$0x0] =	sbarrier.arrive $0xFFFF  }
0x72: {  	_ =	strace $0x90000047  }
0x73: {  	s0 =	stileid.u32;
	[bflag:$0x2] =	sbarrier.arrive $0xFFFF  }
0x74: {  	p0 =	sne.s32 s0, $0x0;
	s0 =	rddreg [dreg:$0x5]  }
0x75: {  	s0 =	sadd.s32 @!p0 $0x100000, s0  }
0x76: {  	[sflag:s0] =	ssyncadd.tile.s32 @!p0 $0x1;
	_ =	shalt  }
.Lfunc_end2:
_tile_overlayer_lowered:
.L_overlay_start_2:
0x77: {  	(tag) =	ssettag $0x2  }
0x78: {  	s0 =	rddreg [dreg:$0x0];
	s2 =	stileid.u32  }
0x79: {  	s1 =	rddreg [dreg:$0x1];
	p0 =	sne.s32 s2, $0x0  }
0x7a: {  	s3 =	rddreg [dreg:$0x2];
	[bflag:$0x3] =	sbarrier.arrive $0xFFFF;
	s2 =	simm.s32 @!p0 $0x1C05  }
0x7b: {  	[timem:s3], [sflag:s2] =	dma.local @!p0 [hbm:s0], s1  }
0x7c: {  	s0 =	simm.s32 @!p0 $0x5  }
0x7d: {  	_ =	swait.ge @!p0 [sflag:s0], s1  }
0x7e: {  	s1 =	ssub.s32 @!p0 $0x0, s1;
	[sflag:s0] =	ssyncset.done @!p0 $0x0  }
0x7f: {  	[sflag:s0] =	ssyncadd.s32 @!p0 s1  }
0x80: {  	[bflag:$0x3] =	sbarrier.arrive $0xFFFF  }
0x81: {  	_ =	shalt  }

</sc_bundles>
